<compile_context>
chip_gen: v7x
topology: tpu7x:2x2x1
jax: 0.10.2.dev20260603
libtpu: 0.0.44.dev20260713+nightly
codegen_flags: <defaults>
</compile_context>

<pallas_src>
import functools

import jax
import jax.numpy as jnp
from jax import lax
from jax.experimental import pallas as pl
from jax.experimental.pallas import tpu as pltpu
from jax.experimental.pallas import tpu_sc as plsc


def _sc_delta_kernel(n_ids: int):
    info = plsc.get_sparse_core_info()
    nc, ns, lanes = info.num_cores, info.num_subcores, info.num_lanes
    nw = nc * ns
    per_w = n_ids // nw
    assert n_ids % nw == 0 and per_w % lanes == 0
    gchunk = 128
    assert per_w % gchunk == 0

    mesh = plsc.VectorSubcoreMesh(core_axis_name="c", subcore_axis_name="s")

    @functools.partial(
        pl.kernel,
        mesh=mesh,
        out_type=jax.ShapeDtypeStruct((n_ids,), jnp.float32),
        scratch_types=[
            pltpu.VMEM((per_w,), jnp.int32),
            pltpu.VMEM((per_w,), jnp.float32),
            pltpu.VMEM((per_w,), jnp.float32),
            pltpu.SemaphoreType.DMA,
        ],
    )
    def sc_delta(ids_hbm, table_hbm, out_hbm, idx_v, rows_v, delta_v, sem):
        wid = lax.axis_index("s") * nc + lax.axis_index("c")
        base = wid * per_w
        pltpu.sync_copy(ids_hbm.at[pl.ds(base, per_w)], idx_v)
        gathers = [
            pltpu.async_copy(
                table_hbm.at[idx_v.at[pl.ds(g * gchunk, gchunk)]],
                rows_v.at[pl.ds(g * gchunk, gchunk)],
                sem,
            )
            for g in range(per_w // gchunk)
        ]
        for cop in gathers:
            cop.wait()
        for i in range(per_w // lanes):
            sl = pl.ds(i * lanes, lanes)
            v = rows_v[sl]
            delta_v[sl] = v - v
        pltpu.sync_copy(delta_v, out_hbm.at[pl.ds(base, per_w)])

    return sc_delta


@functools.lru_cache(maxsize=None)
def _build(n_ids):
    return _sc_delta_kernel(n_ids)


def kernel(witness_ids, hidden_states, witness_weight):
    batch, seq = witness_ids.shape
    seq_h, batch_h, d_model = hidden_states.shape
    sc_delta = _build(batch * seq)
    ids_flat = witness_ids.reshape(-1).astype(jnp.int32)
    table = witness_weight.reshape(-1)
    delta = sc_delta(ids_flat, table)
    delta_sb1 = jnp.transpose(delta.reshape(batch, seq), (1, 0))[:, :, None]
    return hidden_states + delta_sb1

# --- scband reference (transcript-rebuilt; emitter-appended) ---
"""Pipeline reference for scband-data-witness-21698174779768 (READ-ONLY COPY).

The authoritative reference and input builder live on the scoring server;
editing this copy changes nothing except your own understanding.
"""

import jax, jax.numpy as jnp
import numpy as np

BUFFER_SIZE = 1000000
BATCH = 4
SEQ = 4096
D_MODEL = 2048


def setup_inputs(seed: int = 0) -> dict:
    key = jax.random.key(seed)
    k1, k2 = jax.random.split(key)
    witness_ids = jax.random.randint(k1, (BATCH, SEQ), 0, BUFFER_SIZE)
    hidden_states = jax.random.normal(k2, (SEQ, BATCH, D_MODEL), dtype=jnp.float32)
    # learned parameter: nn.Embedding(buffer_size, 1) initialized to zeros
    witness_weight = jnp.zeros((BUFFER_SIZE, 1), dtype=jnp.float32)
    return {"witness_ids": witness_ids, "hidden_states": hidden_states, "witness_weight": witness_weight}


def reference(witness_ids, hidden_states, witness_weight):
    # embedding lookup: [B, S] -> [B, S, 1]
    w = jnp.take(witness_weight, witness_ids, axis=0)
    # w - w.detach(): numerically zero, grad path to witness table only
    out = w - jax.lax.stop_gradient(w)
    # transpose(0, 1): [B, S, 1] -> [S, B, 1]
    out = jnp.transpose(out, (1, 0, 2))
    # _abs_broadcast_add forward is a plain broadcast add
    assert out.shape[-1] == 1
    assert hidden_states.shape[:-1] == out.shape[:-1]
    return hidden_states + out

if __name__ == "__main__":
    import jax
    _d = setup_inputs()
    print(jax.jit(kernel)(*tuple(_d.values())))

</pallas_src>

<mosaic_0001>
#map = affine_map<(d0, d1) -> (0)>
module attributes {stable_mosaic.version = 14 : i64} {
  func.func @sc_delta(%arg0: i32, %arg1: i32, %arg2: memref<16384xi32, #tpu.memory_space<hbm>>, %arg3: memref<1000000xf32, #tpu.memory_space<hbm>>, %arg4: memref<16384xf32, #tpu.memory_space<hbm>>, %arg5: memref<512xi32, #tpu.memory_space<vmem>>, %arg6: memref<512xf32, #tpu.memory_space<vmem>>, %arg7: memref<512xf32, #tpu.memory_space<vmem>>, %arg8: memref<!tpu.dma_semaphore, #tpu.memory_space<semaphore_mem>>) attributes {dimension_semantics = [#tpu.dimension_semantics<core_parallel>, #tpu.dimension_semantics<subcore_parallel>], iteration_bounds = array<i64: 2, 16>, scalar_prefetch = 0 : i64, scratch_operands = 4 : i64, tpu.core_type = #tpu.core_type<sc_vector_subcore>, window_params = [{transform_indices = #map}, {transform_indices = #map}, {transform_indices = #map}]} {
    %mul3A = arith.constant 2 : i32
    %mul3A_0 = arith.muli %arg1, %mul3A : i32
    %add3A = arith.addi %mul3A_0, %arg0 : i32
    %mul3A_1 = arith.constant 512 : i32
    %mul3A_2 = arith.muli %add3A, %mul3A_1 : i32
    "tpu.region"() ({
      %run_scoped3A = tpu.sem_alloc : memref<!tpu.dma_semaphore, #tpu.memory_space<semaphore_mem>>
      %dma_start3A_302 = tpu.memref_slice %arg2[%mul3A_2] : memref<16384xi32, #tpu.memory_space<hbm>> -> memref<512xi32, #tpu.memory_space<hbm>>
      %dma_start3A_303 = tpu.memref_slice %arg2[%mul3A_2] : memref<16384xi32, #tpu.memory_space<hbm>> -> memref<512xi32, #tpu.memory_space<hbm>>
      tpu.enqueue_dma source(%dma_start3A_303 : memref<512xi32, #tpu.memory_space<hbm>>) target(%arg5 : memref<512xi32, #tpu.memory_space<vmem>>) target_semaphore(%run_scoped3A : memref<!tpu.dma_semaphore, #tpu.memory_space<semaphore_mem>>)
      %dma_wait3A_304 = tpu.memref_slice %arg2[%mul3A_2] : memref<16384xi32, #tpu.memory_space<hbm>> -> memref<512xi32, #tpu.memory_space<hbm>>
      %dma_wait3A_305 = tpu.memref_slice %arg2[%mul3A_2] : memref<16384xi32, #tpu.memory_space<hbm>> -> memref<512xi32, #tpu.memory_space<hbm>>
      tpu.wait_dma2 semaphore(%run_scoped3A : memref<!tpu.dma_semaphore, #tpu.memory_space<semaphore_mem>>) src(%dma_wait3A_305 : memref<512xi32, #tpu.memory_space<hbm>>) dst(%arg5 : memref<512xi32, #tpu.memory_space<vmem>>)
      tpu.yield
    }) : () -> ()
    %dma_start3A = arith.constant 0 : i32
    %dma_start3A_3 = tpu.memref_slice %arg6[%dma_start3A] : memref<512xf32, #tpu.memory_space<vmem>> -> memref<128xf32, #tpu.memory_space<vmem>>
    %dma_start3A_4 = arith.constant 0 : i32
    %dma_start3A_5 = tpu.memref_slice %arg5[%dma_start3A_4] : memref<512xi32, #tpu.memory_space<vmem>> -> memref<128xi32, #tpu.memory_space<vmem>>
    %dma_start3A_6 = arith.constant 0 : i32
    %dma_start3A_7 = tpu.memref_slice %arg3[%dma_start3A_6] : memref<1000000xf32, #tpu.memory_space<hbm>> -> memref<1000000xf32, #tpu.memory_space<hbm>>
    tpu.enqueue_indirect_dma source(%dma_start3A_7 : memref<1000000xf32, #tpu.memory_space<hbm>>) target(%dma_start3A_3 : memref<128xf32, #tpu.memory_space<vmem>>) offsets(%dma_start3A_5 : memref<128xi32, #tpu.memory_space<vmem>>) semaphore(%arg8 : memref<!tpu.dma_semaphore, #tpu.memory_space<semaphore_mem>>)
    %dma_start3A_8 = arith.constant 128 : i32
    %dma_start3A_9 = tpu.memref_slice %arg6[%dma_start3A_8] : memref<512xf32, #tpu.memory_space<vmem>> -> memref<128xf32, #tpu.memory_space<vmem>>
    %dma_start3A_10 = arith.constant 128 : i32
    %dma_start3A_11 = tpu.memref_slice %arg5[%dma_start3A_10] : memref<512xi32, #tpu.memory_space<vmem>> -> memref<128xi32, #tpu.memory_space<vmem>>
    %dma_start3A_12 = arith.constant 0 : i32
    %dma_start3A_13 = tpu.memref_slice %arg3[%dma_start3A_12] : memref<1000000xf32, #tpu.memory_space<hbm>> -> memref<1000000xf32, #tpu.memory_space<hbm>>
    tpu.enqueue_indirect_dma source(%dma_start3A_13 : memref<1000000xf32, #tpu.memory_space<hbm>>) target(%dma_start3A_9 : memref<128xf32, #tpu.memory_space<vmem>>) offsets(%dma_start3A_11 : memref<128xi32, #tpu.memory_space<vmem>>) semaphore(%arg8 : memref<!tpu.dma_semaphore, #tpu.memory_space<semaphore_mem>>)
    %dma_start3A_14 = arith.constant 256 : i32
    %dma_start3A_15 = tpu.memref_slice %arg6[%dma_start3A_14] : memref<512xf32, #tpu.memory_space<vmem>> -> memref<128xf32, #tpu.memory_space<vmem>>
    %dma_start3A_16 = arith.constant 256 : i32
    %dma_start3A_17 = tpu.memref_slice %arg5[%dma_start3A_16] : memref<512xi32, #tpu.memory_space<vmem>> -> memref<128xi32, #tpu.memory_space<vmem>>
    %dma_start3A_18 = arith.constant 0 : i32
    %dma_start3A_19 = tpu.memref_slice %arg3[%dma_start3A_18] : memref<1000000xf32, #tpu.memory_space<hbm>> -> memref<1000000xf32, #tpu.memory_space<hbm>>
    tpu.enqueue_indirect_dma source(%dma_start3A_19 : memref<1000000xf32, #tpu.memory_space<hbm>>) target(%dma_start3A_15 : memref<128xf32, #tpu.memory_space<vmem>>) offsets(%dma_start3A_17 : memref<128xi32, #tpu.memory_space<vmem>>) semaphore(%arg8 : memref<!tpu.dma_semaphore, #tpu.memory_space<semaphore_mem>>)
    %dma_start3A_20 = arith.constant 384 : i32
    %dma_start3A_21 = tpu.memref_slice %arg6[%dma_start3A_20] : memref<512xf32, #tpu.memory_space<vmem>> -> memref<128xf32, #tpu.memory_space<vmem>>
    %dma_start3A_22 = arith.constant 384 : i32
    %dma_start3A_23 = tpu.memref_slice %arg5[%dma_start3A_22] : memref<512xi32, #tpu.memory_space<vmem>> -> memref<128xi32, #tpu.memory_space<vmem>>
    %dma_start3A_24 = arith.constant 0 : i32
    %dma_start3A_25 = tpu.memref_slice %arg3[%dma_start3A_24] : memref<1000000xf32, #tpu.memory_space<hbm>> -> memref<1000000xf32, #tpu.memory_space<hbm>>
    tpu.enqueue_indirect_dma source(%dma_start3A_25 : memref<1000000xf32, #tpu.memory_space<hbm>>) target(%dma_start3A_21 : memref<128xf32, #tpu.memory_space<vmem>>) offsets(%dma_start3A_23 : memref<128xi32, #tpu.memory_space<vmem>>) semaphore(%arg8 : memref<!tpu.dma_semaphore, #tpu.memory_space<semaphore_mem>>)
    %dma_wait3A = arith.constant 0 : i32
    %dma_wait3A_26 = tpu.memref_slice %arg6[%dma_wait3A] : memref<512xf32, #tpu.memory_space<vmem>> -> memref<128xf32, #tpu.memory_space<vmem>>
    %dma_wait3A_27 = arith.constant 0 : i32
    %dma_wait3A_28 = tpu.memref_slice %arg5[%dma_wait3A_27] : memref<512xi32, #tpu.memory_space<vmem>> -> memref<128xi32, #tpu.memory_space<vmem>>
    %dma_wait3A_29 = arith.constant 0 : i32
    %dma_wait3A_30 = tpu.memref_slice %arg3[%dma_wait3A_29] : memref<1000000xf32, #tpu.memory_space<hbm>> -> memref<1000000xf32, #tpu.memory_space<hbm>>
    tpu.wait_indirect_dma semaphore(%arg8 : memref<!tpu.dma_semaphore, #tpu.memory_space<semaphore_mem>>) src(%dma_wait3A_30 : memref<1000000xf32, #tpu.memory_space<hbm>>) dst(%dma_wait3A_26 : memref<128xf32, #tpu.memory_space<vmem>>)
    %dma_wait3A_31 = arith.constant 128 : i32
    %dma_wait3A_32 = tpu.memref_slice %arg6[%dma_wait3A_31] : memref<512xf32, #tpu.memory_space<vmem>> -> memref<128xf32, #tpu.memory_space<vmem>>
    %dma_wait3A_33 = arith.constant 128 : i32
    %dma_wait3A_34 = tpu.memref_slice %arg5[%dma_wait3A_33] : memref<512xi32, #tpu.memory_space<vmem>> -> memref<128xi32, #tpu.memory_space<vmem>>
    %dma_wait3A_35 = arith.constant 0 : i32
    %dma_wait3A_36 = tpu.memref_slice %arg3[%dma_wait3A_35] : memref<1000000xf32, #tpu.memory_space<hbm>> -> memref<1000000xf32, #tpu.memory_space<hbm>>
    tpu.wait_indirect_dma semaphore(%arg8 : memref<!tpu.dma_semaphore, #tpu.memory_space<semaphore_mem>>) src(%dma_wait3A_36 : memref<1000000xf32, #tpu.memory_space<hbm>>) dst(%dma_wait3A_32 : memref<128xf32, #tpu.memory_space<vmem>>)
    %dma_wait3A_37 = arith.constant 256 : i32
    %dma_wait3A_38 = tpu.memref_slice %arg6[%dma_wait3A_37] : memref<512xf32, #tpu.memory_space<vmem>> -> memref<128xf32, #tpu.memory_space<vmem>>
    %dma_wait3A_39 = arith.constant 256 : i32
    %dma_wait3A_40 = tpu.memref_slice %arg5[%dma_wait3A_39] : memref<512xi32, #tpu.memory_space<vmem>> -> memref<128xi32, #tpu.memory_space<vmem>>
    %dma_wait3A_41 = arith.constant 0 : i32
    %dma_wait3A_42 = tpu.memref_slice %arg3[%dma_wait3A_41] : memref<1000000xf32, #tpu.memory_space<hbm>> -> memref<1000000xf32, #tpu.memory_space<hbm>>
    tpu.wait_indirect_dma semaphore(%arg8 : memref<!tpu.dma_semaphore, #tpu.memory_space<semaphore_mem>>) src(%dma_wait3A_42 : memref<1000000xf32, #tpu.memory_space<hbm>>) dst(%dma_wait3A_38 : memref<128xf32, #tpu.memory_space<vmem>>)
    %dma_wait3A_43 = arith.constant 384 : i32
    %dma_wait3A_44 = tpu.memref_slice %arg6[%dma_wait3A_43] : memref<512xf32, #tpu.memory_space<vmem>> -> memref<128xf32, #tpu.memory_space<vmem>>
    %dma_wait3A_45 = arith.constant 384 : i32
    %dma_wait3A_46 = tpu.memref_slice %arg5[%dma_wait3A_45] : memref<512xi32, #tpu.memory_space<vmem>> -> memref<128xi32, #tpu.memory_space<vmem>>
    %dma_wait3A_47 = arith.constant 0 : i32
    %dma_wait3A_48 = tpu.memref_slice %arg3[%dma_wait3A_47] : memref<1000000xf32, #tpu.memory_space<hbm>> -> memref<1000000xf32, #tpu.memory_space<hbm>>
    tpu.wait_indirect_dma semaphore(%arg8 : memref<!tpu.dma_semaphore, #tpu.memory_space<semaphore_mem>>) src(%dma_wait3A_48 : memref<1000000xf32, #tpu.memory_space<hbm>>) dst(%dma_wait3A_44 : memref<128xf32, #tpu.memory_space<vmem>>)
    %get3A = arith.constant 0 : index
    %get3A_49 = tpu.vector_load %arg6[%get3A] {strides = array<i32>} : memref<512xf32, #tpu.memory_space<vmem>>, vector<16xf32>,
    %get3A_50 = vector.shape_cast %get3A_49 : vector<16xf32> to vector<16xf32>
    %sub3A = arith.subf %get3A_50, %get3A_50 : vector<16xf32>
    %swap3A = arith.constant 0 : index
    %swap3A_51 = tpu.vector_load %arg7[%swap3A] {strides = array<i32>} : memref<512xf32, #tpu.memory_space<vmem>>, vector<16xf32>,
    %swap3A_52 = vector.shape_cast %swap3A_51 : vector<16xf32> to vector<16xf32>
    %swap3A_53 = vector.shape_cast %sub3A : vector<16xf32> to vector<16xf32>
    tpu.vector_store %arg7[%swap3A], %swap3A_53 {strides = array<i32>} : memref<512xf32, #tpu.memory_space<vmem>>, vector<16xf32>,
    %get3A_54 = arith.constant 16 : index
    %get3A_55 = tpu.vector_load %arg6[%get3A_54] {strides = array<i32>} : memref<512xf32, #tpu.memory_space<vmem>>, vector<16xf32>,
    %get3A_56 = vector.shape_cast %get3A_55 : vector<16xf32> to vector<16xf32>
    %sub3A_57 = arith.subf %get3A_56, %get3A_56 : vector<16xf32>
    %swap3A_58 = arith.constant 16 : index
    %swap3A_59 = tpu.vector_load %arg7[%swap3A_58] {strides = array<i32>} : memref<512xf32, #tpu.memory_space<vmem>>, vector<16xf32>,
    %swap3A_60 = vector.shape_cast %swap3A_59 : vector<16xf32> to vector<16xf32>
    %swap3A_61 = vector.shape_cast %sub3A_57 : vector<16xf32> to vector<16xf32>
    tpu.vector_store %arg7[%swap3A_58], %swap3A_61 {strides = array<i32>} : memref<512xf32, #tpu.memory_space<vmem>>, vector<16xf32>,
    %get3A_62 = arith.constant 32 : index
    %get3A_63 = tpu.vector_load %arg6[%get3A_62] {strides = array<i32>} : memref<512xf32, #tpu.memory_space<vmem>>, vector<16xf32>,
    %get3A_64 = vector.shape_cast %get3A_63 : vector<16xf32> to vector<16xf32>
    %sub3A_65 = arith.subf %get3A_64, %get3A_64 : vector<16xf32>
    %swap3A_66 = arith.constant 32 : index
    %swap3A_67 = tpu.vector_load %arg7[%swap3A_66] {strides = array<i32>} : memref<512xf32, #tpu.memory_space<vmem>>, vector<16xf32>,
    %swap3A_68 = vector.shape_cast %swap3A_67 : vector<16xf32> to vector<16xf32>
    %swap3A_69 = vector.shape_cast %sub3A_65 : vector<16xf32> to vector<16xf32>
    tpu.vector_store %arg7[%swap3A_66], %swap3A_69 {strides = array<i32>} : memref<512xf32, #tpu.memory_space<vmem>>, vector<16xf32>,
    %get3A_70 = arith.constant 48 : index
    %get3A_71 = tpu.vector_load %arg6[%get3A_70] {strides = array<i32>} : memref<512xf32, #tpu.memory_space<vmem>>, vector<16xf32>,
    %get3A_72 = vector.shape_cast %get3A_71 : vector<16xf32> to vector<16xf32>
    %sub3A_73 = arith.subf %get3A_72, %get3A_72 : vector<16xf32>
    %swap3A_74 = arith.constant 48 : index
    %swap3A_75 = tpu.vector_load %arg7[%swap3A_74] {strides = array<i32>} : memref<512xf32, #tpu.memory_space<vmem>>, vector<16xf32>,
    %swap3A_76 = vector.shape_cast %swap3A_75 : vector<16xf32> to vector<16xf32>
    %swap3A_77 = vector.shape_cast %sub3A_73 : vector<16xf32> to vector<16xf32>
    tpu.vector_store %arg7[%swap3A_74], %swap3A_77 {strides = array<i32>} : memref<512xf32, #tpu.memory_space<vmem>>, vector<16xf32>,
    %get3A_78 = arith.constant 64 : index
    %get3A_79 = tpu.vector_load %arg6[%get3A_78] {strides = array<i32>} : memref<512xf32, #tpu.memory_space<vmem>>, vector<16xf32>,
    %get3A_80 = vector.shape_cast %get3A_79 : vector<16xf32> to vector<16xf32>
    %sub3A_81 = arith.subf %get3A_80, %get3A_80 : vector<16xf32>
    %swap3A_82 = arith.constant 64 : index
    %swap3A_83 = tpu.vector_load %arg7[%swap3A_82] {strides = array<i32>} : memref<512xf32, #tpu.memory_space<vmem>>, vector<16xf32>,
    %swap3A_84 = vector.shape_cast %swap3A_83 : vector<16xf32> to vector<16xf32>
    %swap3A_85 = vector.shape_cast %sub3A_81 : vector<16xf32> to vector<16xf32>
    tpu.vector_store %arg7[%swap3A_82], %swap3A_85 {strides = array<i32>} : memref<512xf32, #tpu.memory_space<vmem>>, vector<16xf32>,
    %get3A_86 = arith.constant 80 : index
    %get3A_87 = tpu.vector_load %arg6[%get3A_86] {strides = array<i32>} : memref<512xf32, #tpu.memory_space<vmem>>, vector<16xf32>,
    %get3A_88 = vector.shape_cast %get3A_87 : vector<16xf32> to vector<16xf32>
    %sub3A_89 = arith.subf %get3A_88, %get3A_88 : vector<16xf32>
    %swap3A_90 = arith.constant 80 : index
    %swap3A_91 = tpu.vector_load %arg7[%swap3A_90] {strides = array<i32>} : memref<512xf32, #tpu.memory_space<vmem>>, vector<16xf32>,
    %swap3A_92 = vector.shape_cast %swap3A_91 : vector<16xf32> to vector<16xf32>
    %swap3A_93 = vector.shape_cast %sub3A_89 : vector<16xf32> to vector<16xf32>
    tpu.vector_store %arg7[%swap3A_90], %swap3A_93 {strides = array<i32>} : memref<512xf32, #tpu.memory_space<vmem>>, vector<16xf32>,
    %get3A_94 = arith.constant 96 : index
    %get3A_95 = tpu.vector_load %arg6[%get3A_94] {strides = array<i32>} : memref<512xf32, #tpu.memory_space<vmem>>, vector<16xf32>,
    %get3A_96 = vector.shape_cast %get3A_95 : vector<16xf32> to vector<16xf32>
    %sub3A_97 = arith.subf %get3A_96, %get3A_96 : vector<16xf32>
    %swap3A_98 = arith.constant 96 : index
    %swap3A_99 = tpu.vector_load %arg7[%swap3A_98] {strides = array<i32>} : memref<512xf32, #tpu.memory_space<vmem>>, vector<16xf32>,
    %swap3A_100 = vector.shape_cast %swap3A_99 : vector<16xf32> to vector<16xf32>
    %swap3A_101 = vector.shape_cast %sub3A_97 : vector<16xf32> to vector<16xf32>
    tpu.vector_store %arg7[%swap3A_98], %swap3A_101 {strides = array<i32>} : memref<512xf32, #tpu.memory_space<vmem>>, vector<16xf32>,
    %get3A_102 = arith.constant 112 : index
    %get3A_103 = tpu.vector_load %arg6[%get3A_102] {strides = array<i32>} : memref<512xf32, #tpu.memory_space<vmem>>, vector<16xf32>,
    %get3A_104 = vector.shape_cast %get3A_103 : vector<16xf32> to vector<16xf32>
    %sub3A_105 = arith.subf %get3A_104, %get3A_104 : vector<16xf32>
    %swap3A_106 = arith.constant 112 : index
    %swap3A_107 = tpu.vector_load %arg7[%swap3A_106] {strides = array<i32>} : memref<512xf32, #tpu.memory_space<vmem>>, vector<16xf32>,
    %swap3A_108 = vector.shape_cast %swap3A_107 : vector<16xf32> to vector<16xf32>
    %swap3A_109 = vector.shape_cast %sub3A_105 : vector<16xf32> to vector<16xf32>
    tpu.vector_store %arg7[%swap3A_106], %swap3A_109 {strides = array<i32>} : memref<512xf32, #tpu.memory_space<vmem>>, vector<16xf32>,
    %get3A_110 = arith.constant 128 : index
    %get3A_111 = tpu.vector_load %arg6[%get3A_110] {strides = array<i32>} : memref<512xf32, #tpu.memory_space<vmem>>, vector<16xf32>,
    %get3A_112 = vector.shape_cast %get3A_111 : vector<16xf32> to vector<16xf32>
    %sub3A_113 = arith.subf %get3A_112, %get3A_112 : vector<16xf32>
    %swap3A_114 = arith.constant 128 : index
    %swap3A_115 = tpu.vector_load %arg7[%swap3A_114] {strides = array<i32>} : memref<512xf32, #tpu.memory_space<vmem>>, vector<16xf32>,
    %swap3A_116 = vector.shape_cast %swap3A_115 : vector<16xf32> to vector<16xf32>
    %swap3A_117 = vector.shape_cast %sub3A_113 : vector<16xf32> to vector<16xf32>
    tpu.vector_store %arg7[%swap3A_114], %swap3A_117 {strides = array<i32>} : memref<512xf32, #tpu.memory_space<vmem>>, vector<16xf32>,
    %get3A_118 = arith.constant 144 : index
    %get3A_119 = tpu.vector_load %arg6[%get3A_118] {strides = array<i32>} : memref<512xf32, #tpu.memory_space<vmem>>, vector<16xf32>,
    %get3A_120 = vector.shape_cast %get3A_119 : vector<16xf32> to vector<16xf32>
    %sub3A_121 = arith.subf %get3A_120, %get3A_120 : vector<16xf32>
    %swap3A_122 = arith.constant 144 : index
    %swap3A_123 = tpu.vector_load %arg7[%swap3A_122] {strides = array<i32>} : memref<512xf32, #tpu.memory_space<vmem>>, vector<16xf32>,
    %swap3A_124 = vector.shape_cast %swap3A_123 : vector<16xf32> to vector<16xf32>
    %swap3A_125 = vector.shape_cast %sub3A_121 : vector<16xf32> to vector<16xf32>
    tpu.vector_store %arg7[%swap3A_122], %swap3A_125 {strides = array<i32>} : memref<512xf32, #tpu.memory_space<vmem>>, vector<16xf32>,
    %get3A_126 = arith.constant 160 : index
    %get3A_127 = tpu.vector_load %arg6[%get3A_126] {strides = array<i32>} : memref<512xf32, #tpu.memory_space<vmem>>, vector<16xf32>,
    %get3A_128 = vector.shape_cast %get3A_127 : vector<16xf32> to vector<16xf32>
    %sub3A_129 = arith.subf %get3A_128, %get3A_128 : vector<16xf32>
    %swap3A_130 = arith.constant 160 : index
    %swap3A_131 = tpu.vector_load %arg7[%swap3A_130] {strides = array<i32>} : memref<512xf32, #tpu.memory_space<vmem>>, vector<16xf32>,
    %swap3A_132 = vector.shape_cast %swap3A_131 : vector<16xf32> to vector<16xf32>
    %swap3A_133 = vector.shape_cast %sub3A_129 : vector<16xf32> to vector<16xf32>
    tpu.vector_store %arg7[%swap3A_130], %swap3A_133 {strides = array<i32>} : memref<512xf32, #tpu.memory_space<vmem>>, vector<16xf32>,
    %get3A_134 = arith.constant 176 : index
    %get3A_135 = tpu.vector_load %arg6[%get3A_134] {strides = array<i32>} : memref<512xf32, #tpu.memory_space<vmem>>, vector<16xf32>,
    %get3A_136 = vector.shape_cast %get3A_135 : vector<16xf32> to vector<16xf32>
    %sub3A_137 = arith.subf %get3A_136, %get3A_136 : vector<16xf32>
    %swap3A_138 = arith.constant 176 : index
    %swap3A_139 = tpu.vector_load %arg7[%swap3A_138] {strides = array<i32>} : memref<512xf32, #tpu.memory_space<vmem>>, vector<16xf32>,
    %swap3A_140 = vector.shape_cast %swap3A_139 : vector<16xf32> to vector<16xf32>
    %swap3A_141 = vector.shape_cast %sub3A_137 : vector<16xf32> to vector<16xf32>
    tpu.vector_store %arg7[%swap3A_138], %swap3A_141 {strides = array<i32>} : memref<512xf32, #tpu.memory_space<vmem>>, vector<16xf32>,
    %get3A_142 = arith.constant 192 : index
    %get3A_143 = tpu.vector_load %arg6[%get3A_142] {strides = array<i32>} : memref<512xf32, #tpu.memory_space<vmem>>, vector<16xf32>,
    %get3A_144 = vector.shape_cast %get3A_143 : vector<16xf32> to vector<16xf32>
    %sub3A_145 = arith.subf %get3A_144, %get3A_144 : vector<16xf32>
    %swap3A_146 = arith.constant 192 : index
    %swap3A_147 = tpu.vector_load %arg7[%swap3A_146] {strides = array<i32>} : memref<512xf32, #tpu.memory_space<vmem>>, vector<16xf32>,
    %swap3A_148 = vector.shape_cast %swap3A_147 : vector<16xf32> to vector<16xf32>
    %swap3A_149 = vector.shape_cast %sub3A_145 : vector<16xf32> to vector<16xf32>
    tpu.vector_store %arg7[%swap3A_146], %swap3A_149 {strides = array<i32>} : memref<512xf32, #tpu.memory_space<vmem>>, vector<16xf32>,
    %get3A_150 = arith.constant 208 : index
    %get3A_151 = tpu.vector_load %arg6[%get3A_150] {strides = array<i32>} : memref<512xf32, #tpu.memory_space<vmem>>, vector<16xf32>,
    %get3A_152 = vector.shape_cast %get3A_151 : vector<16xf32> to vector<16xf32>
    %sub3A_153 = arith.subf %get3A_152, %get3A_152 : vector<16xf32>
    %swap3A_154 = arith.constant 208 : index
    %swap3A_155 = tpu.vector_load %arg7[%swap3A_154] {strides = array<i32>} : memref<512xf32, #tpu.memory_space<vmem>>, vector<16xf32>,
    %swap3A_156 = vector.shape_cast %swap3A_155 : vector<16xf32> to vector<16xf32>
    %swap3A_157 = vector.shape_cast %sub3A_153 : vector<16xf32> to vector<16xf32>
    tpu.vector_store %arg7[%swap3A_154], %swap3A_157 {strides = array<i32>} : memref<512xf32, #tpu.memory_space<vmem>>, vector<16xf32>,
    %get3A_158 = arith.constant 224 : index
    %get3A_159 = tpu.vector_load %arg6[%get3A_158] {strides = array<i32>} : memref<512xf32, #tpu.memory_space<vmem>>, vector<16xf32>,
    %get3A_160 = vector.shape_cast %get3A_159 : vector<16xf32> to vector<16xf32>
    %sub3A_161 = arith.subf %get3A_160, %get3A_160 : vector<16xf32>
    %swap3A_162 = arith.constant 224 : index
    %swap3A_163 = tpu.vector_load %arg7[%swap3A_162] {strides = array<i32>} : memref<512xf32, #tpu.memory_space<vmem>>, vector<16xf32>,
    %swap3A_164 = vector.shape_cast %swap3A_163 : vector<16xf32> to vector<16xf32>
    %swap3A_165 = vector.shape_cast %sub3A_161 : vector<16xf32> to vector<16xf32>
    tpu.vector_store %arg7[%swap3A_162], %swap3A_165 {strides = array<i32>} : memref<512xf32, #tpu.memory_space<vmem>>, vector<16xf32>,
    %get3A_166 = arith.constant 240 : index
    %get3A_167 = tpu.vector_load %arg6[%get3A_166] {strides = array<i32>} : memref<512xf32, #tpu.memory_space<vmem>>, vector<16xf32>,
    %get3A_168 = vector.shape_cast %get3A_167 : vector<16xf32> to vector<16xf32>
    %sub3A_169 = arith.subf %get3A_168, %get3A_168 : vector<16xf32>
    %swap3A_170 = arith.constant 240 : index
    %swap3A_171 = tpu.vector_load %arg7[%swap3A_170] {strides = array<i32>} : memref<512xf32, #tpu.memory_space<vmem>>, vector<16xf32>,
    %swap3A_172 = vector.shape_cast %swap3A_171 : vector<16xf32> to vector<16xf32>
    %swap3A_173 = vector.shape_cast %sub3A_169 : vector<16xf32> to vector<16xf32>
    tpu.vector_store %arg7[%swap3A_170], %swap3A_173 {strides = array<i32>} : memref<512xf32, #tpu.memory_space<vmem>>, vector<16xf32>,
    %get3A_174 = arith.constant 256 : index
    %get3A_175 = tpu.vector_load %arg6[%get3A_174] {strides = array<i32>} : memref<512xf32, #tpu.memory_space<vmem>>, vector<16xf32>,
    %get3A_176 = vector.shape_cast %get3A_175 : vector<16xf32> to vector<16xf32>
    %sub3A_177 = arith.subf %get3A_176, %get3A_176 : vector<16xf32>
    %swap3A_178 = arith.constant 256 : index
    %swap3A_179 = tpu.vector_load %arg7[%swap3A_178] {strides = array<i32>} : memref<512xf32, #tpu.memory_space<vmem>>, vector<16xf32>,
    %swap3A_180 = vector.shape_cast %swap3A_179 : vector<16xf32> to vector<16xf32>
    %swap3A_181 = vector.shape_cast %sub3A_177 : vector<16xf32> to vector<16xf32>
    tpu.vector_store %arg7[%swap3A_178], %swap3A_181 {strides = array<i32>} : memref<512xf32, #tpu.memory_space<vmem>>, vector<16xf32>,
    %get3A_182 = arith.constant 272 : index
    %get3A_183 = tpu.vector_load %arg6[%get3A_182] {strides = array<i32>} : memref<512xf32, #tpu.memory_space<vmem>>, vector<16xf32>,
    %get3A_184 = vector.shape_cast %get3A_183 : vector<16xf32> to vector<16xf32>
    %sub3A_185 = arith.subf %get3A_184, %get3A_184 : vector<16xf32>
    %swap3A_186 = arith.constant 272 : index
    %swap3A_187 = tpu.vector_load %arg7[%swap3A_186] {strides = array<i32>} : memref<512xf32, #tpu.memory_space<vmem>>, vector<16xf32>,
    %swap3A_188 = vector.shape_cast %swap3A_187 : vector<16xf32> to vector<16xf32>
    %swap3A_189 = vector.shape_cast %sub3A_185 : vector<16xf32> to vector<16xf32>
    tpu.vector_store %arg7[%swap3A_186], %swap3A_189 {strides = array<i32>} : memref<512xf32, #tpu.memory_space<vmem>>, vector<16xf32>,
    %get3A_190 = arith.constant 288 : index
    %get3A_191 = tpu.vector_load %arg6[%get3A_190] {strides = array<i32>} : memref<512xf32, #tpu.memory_space<vmem>>, vector<16xf32>,
    %get3A_192 = vector.shape_cast %get3A_191 : vector<16xf32> to vector<16xf32>
    %sub3A_193 = arith.subf %get3A_192, %get3A_192 : vector<16xf32>
    %swap3A_194 = arith.constant 288 : index
    %swap3A_195 = tpu.vector_load %arg7[%swap3A_194] {strides = array<i32>} : memref<512xf32, #tpu.memory_space<vmem>>, vector<16xf32>,
    %swap3A_196 = vector.shape_cast %swap3A_195 : vector<16xf32> to vector<16xf32>
    %swap3A_197 = vector.shape_cast %sub3A_193 : vector<16xf32> to vector<16xf32>
    tpu.vector_store %arg7[%swap3A_194], %swap3A_197 {strides = array<i32>} : memref<512xf32, #tpu.memory_space<vmem>>, vector<16xf32>,
    %get3A_198 = arith.constant 304 : index
    %get3A_199 = tpu.vector_load %arg6[%get3A_198] {strides = array<i32>} : memref<512xf32, #tpu.memory_space<vmem>>, vector<16xf32>,
    %get3A_200 = vector.shape_cast %get3A_199 : vector<16xf32> to vector<16xf32>
    %sub3A_201 = arith.subf %get3A_200, %get3A_200 : vector<16xf32>
    %swap3A_202 = arith.constant 304 : index
    %swap3A_203 = tpu.vector_load %arg7[%swap3A_202] {strides = array<i32>} : memref<512xf32, #tpu.memory_space<vmem>>, vector<16xf32>,
    %swap3A_204 = vector.shape_cast %swap3A_203 : vector<16xf32> to vector<16xf32>
    %swap3A_205 = vector.shape_cast %sub3A_201 : vector<16xf32> to vector<16xf32>
    tpu.vector_store %arg7[%swap3A_202], %swap3A_205 {strides = array<i32>} : memref<512xf32, #tpu.memory_space<vmem>>, vector<16xf32>,
    %get3A_206 = arith.constant 320 : index
    %get3A_207 = tpu.vector_load %arg6[%get3A_206] {strides = array<i32>} : memref<512xf32, #tpu.memory_space<vmem>>, vector<16xf32>,
    %get3A_208 = vector.shape_cast %get3A_207 : vector<16xf32> to vector<16xf32>
    %sub3A_209 = arith.subf %get3A_208, %get3A_208 : vector<16xf32>
    %swap3A_210 = arith.constant 320 : index
    %swap3A_211 = tpu.vector_load %arg7[%swap3A_210] {strides = array<i32>} : memref<512xf32, #tpu.memory_space<vmem>>, vector<16xf32>,
    %swap3A_212 = vector.shape_cast %swap3A_211 : vector<16xf32> to vector<16xf32>
    %swap3A_213 = vector.shape_cast %sub3A_209 : vector<16xf32> to vector<16xf32>
    tpu.vector_store %arg7[%swap3A_210], %swap3A_213 {strides = array<i32>} : memref<512xf32, #tpu.memory_space<vmem>>, vector<16xf32>,
    %get3A_214 = arith.constant 336 : index
    %get3A_215 = tpu.vector_load %arg6[%get3A_214] {strides = array<i32>} : memref<512xf32, #tpu.memory_space<vmem>>, vector<16xf32>,
    %get3A_216 = vector.shape_cast %get3A_215 : vector<16xf32> to vector<16xf32>
    %sub3A_217 = arith.subf %get3A_216, %get3A_216 : vector<16xf32>
    %swap3A_218 = arith.constant 336 : index
    %swap3A_219 = tpu.vector_load %arg7[%swap3A_218] {strides = array<i32>} : memref<512xf32, #tpu.memory_space<vmem>>, vector<16xf32>,
    %swap3A_220 = vector.shape_cast %swap3A_219 : vector<16xf32> to vector<16xf32>
    %swap3A_221 = vector.shape_cast %sub3A_217 : vector<16xf32> to vector<16xf32>
    tpu.vector_store %arg7[%swap3A_218], %swap3A_221 {strides = array<i32>} : memref<512xf32, #tpu.memory_space<vmem>>, vector<16xf32>,
    %get3A_222 = arith.constant 352 : index
    %get3A_223 = tpu.vector_load %arg6[%get3A_222] {strides = array<i32>} : memref<512xf32, #tpu.memory_space<vmem>>, vector<16xf32>,
    %get3A_224 = vector.shape_cast %get3A_223 : vector<16xf32> to vector<16xf32>
    %sub3A_225 = arith.subf %get3A_224, %get3A_224 : vector<16xf32>
    %swap3A_226 = arith.constant 352 : index
    %swap3A_227 = tpu.vector_load %arg7[%swap3A_226] {strides = array<i32>} : memref<512xf32, #tpu.memory_space<vmem>>, vector<16xf32>,
    %swap3A_228 = vector.shape_cast %swap3A_227 : vector<16xf32> to vector<16xf32>
    %swap3A_229 = vector.shape_cast %sub3A_225 : vector<16xf32> to vector<16xf32>
    tpu.vector_store %arg7[%swap3A_226], %swap3A_229 {strides = array<i32>} : memref<512xf32, #tpu.memory_space<vmem>>, vector<16xf32>,
    %get3A_230 = arith.constant 368 : index
    %get3A_231 = tpu.vector_load %arg6[%get3A_230] {strides = array<i32>} : memref<512xf32, #tpu.memory_space<vmem>>, vector<16xf32>,
    %get3A_232 = vector.shape_cast %get3A_231 : vector<16xf32> to vector<16xf32>
    %sub3A_233 = arith.subf %get3A_232, %get3A_232 : vector<16xf32>
    %swap3A_234 = arith.constant 368 : index
    %swap3A_235 = tpu.vector_load %arg7[%swap3A_234] {strides = array<i32>} : memref<512xf32, #tpu.memory_space<vmem>>, vector<16xf32>,
    %swap3A_236 = vector.shape_cast %swap3A_235 : vector<16xf32> to vector<16xf32>
    %swap3A_237 = vector.shape_cast %sub3A_233 : vector<16xf32> to vector<16xf32>
    tpu.vector_store %arg7[%swap3A_234], %swap3A_237 {strides = array<i32>} : memref<512xf32, #tpu.memory_space<vmem>>, vector<16xf32>,
    %get3A_238 = arith.constant 384 : index
    %get3A_239 = tpu.vector_load %arg6[%get3A_238] {strides = array<i32>} : memref<512xf32, #tpu.memory_space<vmem>>, vector<16xf32>,
    %get3A_240 = vector.shape_cast %get3A_239 : vector<16xf32> to vector<16xf32>
    %sub3A_241 = arith.subf %get3A_240, %get3A_240 : vector<16xf32>
    %swap3A_242 = arith.constant 384 : index
    %swap3A_243 = tpu.vector_load %arg7[%swap3A_242] {strides = array<i32>} : memref<512xf32, #tpu.memory_space<vmem>>, vector<16xf32>,
    %swap3A_244 = vector.shape_cast %swap3A_243 : vector<16xf32> to vector<16xf32>
    %swap3A_245 = vector.shape_cast %sub3A_241 : vector<16xf32> to vector<16xf32>
    tpu.vector_store %arg7[%swap3A_242], %swap3A_245 {strides = array<i32>} : memref<512xf32, #tpu.memory_space<vmem>>, vector<16xf32>,
    %get3A_246 = arith.constant 400 : index
    %get3A_247 = tpu.vector_load %arg6[%get3A_246] {strides = array<i32>} : memref<512xf32, #tpu.memory_space<vmem>>, vector<16xf32>,
    %get3A_248 = vector.shape_cast %get3A_247 : vector<16xf32> to vector<16xf32>
    %sub3A_249 = arith.subf %get3A_248, %get3A_248 : vector<16xf32>
    %swap3A_250 = arith.constant 400 : index
    %swap3A_251 = tpu.vector_load %arg7[%swap3A_250] {strides = array<i32>} : memref<512xf32, #tpu.memory_space<vmem>>, vector<16xf32>,
    %swap3A_252 = vector.shape_cast %swap3A_251 : vector<16xf32> to vector<16xf32>
    %swap3A_253 = vector.shape_cast %sub3A_249 : vector<16xf32> to vector<16xf32>
    tpu.vector_store %arg7[%swap3A_250], %swap3A_253 {strides = array<i32>} : memref<512xf32, #tpu.memory_space<vmem>>, vector<16xf32>,
    %get3A_254 = arith.constant 416 : index
    %get3A_255 = tpu.vector_load %arg6[%get3A_254] {strides = array<i32>} : memref<512xf32, #tpu.memory_space<vmem>>, vector<16xf32>,
    %get3A_256 = vector.shape_cast %get3A_255 : vector<16xf32> to vector<16xf32>
    %sub3A_257 = arith.subf %get3A_256, %get3A_256 : vector<16xf32>
    %swap3A_258 = arith.constant 416 : index
    %swap3A_259 = tpu.vector_load %arg7[%swap3A_258] {strides = array<i32>} : memref<512xf32, #tpu.memory_space<vmem>>, vector<16xf32>,
    %swap3A_260 = vector.shape_cast %swap3A_259 : vector<16xf32> to vector<16xf32>
    %swap3A_261 = vector.shape_cast %sub3A_257 : vector<16xf32> to vector<16xf32>
    tpu.vector_store %arg7[%swap3A_258], %swap3A_261 {strides = array<i32>} : memref<512xf32, #tpu.memory_space<vmem>>, vector<16xf32>,
    %get3A_262 = arith.constant 432 : index
    %get3A_263 = tpu.vector_load %arg6[%get3A_262] {strides = array<i32>} : memref<512xf32, #tpu.memory_space<vmem>>, vector<16xf32>,
    %get3A_264 = vector.shape_cast %get3A_263 : vector<16xf32> to vector<16xf32>
    %sub3A_265 = arith.subf %get3A_264, %get3A_264 : vector<16xf32>
    %swap3A_266 = arith.constant 432 : index
    %swap3A_267 = tpu.vector_load %arg7[%swap3A_266] {strides = array<i32>} : memref<512xf32, #tpu.memory_space<vmem>>, vector<16xf32>,
    %swap3A_268 = vector.shape_cast %swap3A_267 : vector<16xf32> to vector<16xf32>
    %swap3A_269 = vector.shape_cast %sub3A_265 : vector<16xf32> to vector<16xf32>
    tpu.vector_store %arg7[%swap3A_266], %swap3A_269 {strides = array<i32>} : memref<512xf32, #tpu.memory_space<vmem>>, vector<16xf32>,
    %get3A_270 = arith.constant 448 : index
    %get3A_271 = tpu.vector_load %arg6[%get3A_270] {strides = array<i32>} : memref<512xf32, #tpu.memory_space<vmem>>, vector<16xf32>,
    %get3A_272 = vector.shape_cast %get3A_271 : vector<16xf32> to vector<16xf32>
    %sub3A_273 = arith.subf %get3A_272, %get3A_272 : vector<16xf32>
    %swap3A_274 = arith.constant 448 : index
    %swap3A_275 = tpu.vector_load %arg7[%swap3A_274] {strides = array<i32>} : memref<512xf32, #tpu.memory_space<vmem>>, vector<16xf32>,
    %swap3A_276 = vector.shape_cast %swap3A_275 : vector<16xf32> to vector<16xf32>
    %swap3A_277 = vector.shape_cast %sub3A_273 : vector<16xf32> to vector<16xf32>
    tpu.vector_store %arg7[%swap3A_274], %swap3A_277 {strides = array<i32>} : memref<512xf32, #tpu.memory_space<vmem>>, vector<16xf32>,
    %get3A_278 = arith.constant 464 : index
    %get3A_279 = tpu.vector_load %arg6[%get3A_278] {strides = array<i32>} : memref<512xf32, #tpu.memory_space<vmem>>, vector<16xf32>,
    %get3A_280 = vector.shape_cast %get3A_279 : vector<16xf32> to vector<16xf32>
    %sub3A_281 = arith.subf %get3A_280, %get3A_280 : vector<16xf32>
    %swap3A_282 = arith.constant 464 : index
    %swap3A_283 = tpu.vector_load %arg7[%swap3A_282] {strides = array<i32>} : memref<512xf32, #tpu.memory_space<vmem>>, vector<16xf32>,
    %swap3A_284 = vector.shape_cast %swap3A_283 : vector<16xf32> to vector<16xf32>
    %swap3A_285 = vector.shape_cast %sub3A_281 : vector<16xf32> to vector<16xf32>
    tpu.vector_store %arg7[%swap3A_282], %swap3A_285 {strides = array<i32>} : memref<512xf32, #tpu.memory_space<vmem>>, vector<16xf32>,
    %get3A_286 = arith.constant 480 : index
    %get3A_287 = tpu.vector_load %arg6[%get3A_286] {strides = array<i32>} : memref<512xf32, #tpu.memory_space<vmem>>, vector<16xf32>,
    %get3A_288 = vector.shape_cast %get3A_287 : vector<16xf32> to vector<16xf32>
    %sub3A_289 = arith.subf %get3A_288, %get3A_288 : vector<16xf32>
    %swap3A_290 = arith.constant 480 : index
    %swap3A_291 = tpu.vector_load %arg7[%swap3A_290] {strides = array<i32>} : memref<512xf32, #tpu.memory_space<vmem>>, vector<16xf32>,
    %swap3A_292 = vector.shape_cast %swap3A_291 : vector<16xf32> to vector<16xf32>
    %swap3A_293 = vector.shape_cast %sub3A_289 : vector<16xf32> to vector<16xf32>
    tpu.vector_store %arg7[%swap3A_290], %swap3A_293 {strides = array<i32>} : memref<512xf32, #tpu.memory_space<vmem>>, vector<16xf32>,
    %get3A_294 = arith.constant 496 : index
    %get3A_295 = tpu.vector_load %arg6[%get3A_294] {strides = array<i32>} : memref<512xf32, #tpu.memory_space<vmem>>, vector<16xf32>,
    %get3A_296 = vector.shape_cast %get3A_295 : vector<16xf32> to vector<16xf32>
    %sub3A_297 = arith.subf %get3A_296, %get3A_296 : vector<16xf32>
    %swap3A_298 = arith.constant 496 : index
    %swap3A_299 = tpu.vector_load %arg7[%swap3A_298] {strides = array<i32>} : memref<512xf32, #tpu.memory_space<vmem>>, vector<16xf32>,
    %swap3A_300 = vector.shape_cast %swap3A_299 : vector<16xf32> to vector<16xf32>
    %swap3A_301 = vector.shape_cast %sub3A_297 : vector<16xf32> to vector<16xf32>
    tpu.vector_store %arg7[%swap3A_298], %swap3A_301 {strides = array<i32>} : memref<512xf32, #tpu.memory_space<vmem>>, vector<16xf32>,
    "tpu.region"() ({
      %run_scoped3A = tpu.sem_alloc : memref<!tpu.dma_semaphore, #tpu.memory_space<semaphore_mem>>
      %dma_start3A_302 = tpu.memref_slice %arg4[%mul3A_2] : memref<16384xf32, #tpu.memory_space<hbm>> -> memref<512xf32, #tpu.memory_space<hbm>>
      %dma_start3A_303 = tpu.memref_slice %arg4[%mul3A_2] : memref<16384xf32, #tpu.memory_space<hbm>> -> memref<512xf32, #tpu.memory_space<hbm>>
      tpu.enqueue_dma source(%arg7 : memref<512xf32, #tpu.memory_space<vmem>>) target(%dma_start3A_303 : memref<512xf32, #tpu.memory_space<hbm>>) target_semaphore(%run_scoped3A : memref<!tpu.dma_semaphore, #tpu.memory_space<semaphore_mem>>)
      %dma_wait3A_304 = tpu.memref_slice %arg4[%mul3A_2] : memref<16384xf32, #tpu.memory_space<hbm>> -> memref<512xf32, #tpu.memory_space<hbm>>
      %dma_wait3A_305 = tpu.memref_slice %arg4[%mul3A_2] : memref<16384xf32, #tpu.memory_space<hbm>> -> memref<512xf32, #tpu.memory_space<hbm>>
      tpu.wait_dma2 semaphore(%run_scoped3A : memref<!tpu.dma_semaphore, #tpu.memory_space<semaphore_mem>>) src(%arg7 : memref<512xf32, #tpu.memory_space<vmem>>) dst(%dma_wait3A_305 : memref<512xf32, #tpu.memory_space<hbm>>)
      tpu.yield
    }) : () -> ()
    return
  }
}

</mosaic_0001>

<sc_bundles>
// kernel: kernel.3.cloned.1.call-start
scs
__scs_entry_jumppad:
0x0: {  	(pc) =	sbr.rel $0x88, $3  }
0x1: {  	(tag) =	ssettag $0x0;
	lr =	simm.s32 $0x1  }
0x2: {  	[smem:$0x3F9E] =	sst lr;
	_ =	strace $0xD0000000  }
0x3: {  	_ = 	snop  }
0x4: {  	_ = 	snop  }
0x5: {  	_ = 	snop  }
0x6: {  	_ = 	snop  }
0x7: {  	_ = 	snop  }
__scs_overlays_trampoline_lowered:
0x8: {  	[smem:$0x3FAD] =	sst s0  }
0x9: {  	[smem:$0x3FAE] =	sst s1  }
0xa: {  	[smem:$0x3FAF] =	sst s2  }
0xb: {  	[smem:$0x3FB0] =	sst s3  }
0xc: {  	[smem:$0x3FB1] =	sst s4  }
0xd: {  	[smem:$0x3FB2] =	sst s5  }
0xe: {  	[smem:$0x3FB3] =	sst s6  }
0xf: {  	[smem:$0x3FB4] =	sst s7  }
0x10: {  	[smem:$0x3FB5] =	sst s8  }
0x11: {  	[smem:$0x3FB6] =	sst s9;
	s0 =	simm.s32 @!p0 $0x0  }
0x12: {  	s1 =	sld [smem:$0x3F9C];
	s0 =	simm.s32 @p0 $0x1  }
0x13: {  	[smem:$0x3FB7] =	sst s0;
	s0 =	simm.s32 @!p1 $0x0  }
0x14: {  	s2 =	sld [smem:$0x3F9B];
	s0 =	simm.s32 @p1 $0x1  }
0x15: {  	[smem:$0x3FB8] =	sst s0;
	s0 =	simm.s32 @!p2 $0x0  }
0x16: {  	s3 =	sld [smem:$0x3FDB];
	s0 =	simm.s32 @p2 $0x1  }
0x17: {  	s4 =	simm.s32 $0x1BF5;
	[smem:$0x3FBA] =	sst s0  }
0x18: {  	s0 =	sld [smem:$0x3F9D];
	_ =	swait.ge [sflag:s4], $0x0  }
0x19: {  	s7 =	sld [smem:$0x3F9E]  }
0x1a: {  	s8 =	sadd.s32 $0xFFFFE003, lr  }
0x1b: {  	s9 =	sadd.s32 $0xFFFFFEF7, lr;
	s5 =	simm.s32 $0xFFFFFFFF;
	p2 =	slt.u32 s8, $0xFFFFF086  }
0x1c: {  	p1 =	slt.u32 s9, $0xF7A;
	s5 =	simm.s32 @!p2 $0x0  }
0x1d: {  	s5 =	simm.s32 @p1 $0x1;
	p0 =	seq.s32 s7, s2  }
0x1e: {  	s7 =	smul.u32 @!p0 $0xF7A, s2;
	p2 =	seq.s32 @!p0 s5, $0x0  }
0x1f: {  	s9 =	smul.u32 $0xF7A, s1;
	s8 =	simm.s32 @!p0 $0x1BF5;
	p2 =	por !p2, p0  }
0x20: {  	[sflag:s8] =	ssyncset.s32 @!p0 $0xFFFFF086;
	s6 =	sadd.s32 @!p0 s3, s7;
	s7 =	simm.s32 @!p0 $0x108  }
0x21: {  	s3 =	sadd.s32 s3, s9;
	s6 =	sadd.s32 @!p0 $0x88, s6;
	s7 =	simm.s32 @p2 $0x1082  }
0x22: {  	[simem:s7], [sflag:s8] =	dma.local @!p0 [hbm:s6], $0xF7A  }
0x23: {  	s9 =	sor.u32 $0xD0000000, s2;
	s6 =	simm.s32 $0x108;
	_ =	swait.ge @!p0 [sflag:s8], $0x0  }
0x24: {  	s3 =	sadd.s32 $0x88, s3;
	s6 =	simm.s32 @!p1 $0x1082;
	[sflag:s4] =	ssyncset.s32 $0xFFFFF086  }
0x25: {  	[simem:s6], [sflag:s4] =	dma.local [hbm:s3], $0xF7A  }
0x26: {  	[smem:$0x3F9E] =	sst s1;
	(tag) =	ssettag s2;
	_ =	strace s9  }
0x27: {  	s1 =	sld [smem:$0x3FAE]  }
0x28: {  	s2 =	sld [smem:$0x3FAF]  }
0x29: {  	s4 =	sld [smem:$0x3FB1]  }
0x2a: {  	p0 =	seq.s32 s5, $0x0;
	s5 =	sld [smem:$0x3FB2]  }
0x2b: {  	s6 =	sld [smem:$0x3FB3]  }
0x2c: {  	s7 =	sld [smem:$0x3FB4]  }
0x2d: {  	s3 =	simm.s32 $0x108;
	s8 =	sld [smem:$0x3FB5]  }
0x2e: {  	s3 =	simm.s32 @!p0 $0x1082;
	s9 =	sld [smem:$0x3FB6]  }
0x2f: {  	lr =	sadd.s32 s0, s3;
	s0 =	sld [smem:$0x3FAD]  }
0x30: {  	s3 =	sld [smem:$0x3FB0]  }
0x31: {  	[smem:$0x3FB9] =	sst s10  }
0x32: {  	s10 =	sld [smem:$0x3FB7];
	_ =	sdelay $0x3  }
0x33: {  	p0 =	seq.s32 s10, $0x1;
	s10 =	sld [smem:$0x3FB9];
	_ =	sdelay $0x3  }
0x34: {  	[smem:$0x3FB9] =	sst s10  }
0x35: {  	s10 =	sld [smem:$0x3FB8];
	_ =	sdelay $0x3  }
0x36: {  	p1 =	seq.s32 s10, $0x1;
	s10 =	sld [smem:$0x3FB9];
	_ =	sdelay $0x3  }
0x37: {  	[smem:$0x3FB9] =	sst s10  }
0x38: {  	s10 =	sld [smem:$0x3FBA]  }
0x39: {  	_ = 	snop;
	(pc) =	sbr.ind lr, $3  }
0x3a: {  	_ = 	snop  }
0x3b: {  	_ = 	snop  }
0x3c: {  	p2 =	seq.s32 s10, $0x1;
	s10 =	sld [smem:$0x3FB9]  }
0x3d: {  	_ =	shalt  }
0x3e: {  	_ =	shalt  }
0x3f: {  	_ =	shalt  }
0x40: {  	_ =	shalt  }
0x41: {  	_ =	shalt  }
0x42: {  	_ =	shalt  }
0x43: {  	_ =	shalt  }
0x44: {  	_ =	shalt  }
0x45: {  	_ =	shalt  }
0x46: {  	_ =	shalt  }
0x47: {  	_ =	shalt  }
0x48: {  	_ =	shalt  }
0x49: {  	_ =	shalt  }
0x4a: {  	_ =	shalt  }
0x4b: {  	_ =	shalt  }
0x4c: {  	_ =	shalt  }
0x4d: {  	_ =	shalt  }
0x4e: {  	_ =	shalt  }
0x4f: {  	_ =	shalt  }
0x50: {  	_ =	shalt  }
0x51: {  	_ =	shalt  }
0x52: {  	_ =	shalt  }
0x53: {  	_ =	shalt  }
0x54: {  	_ =	shalt  }
0x55: {  	_ =	shalt  }
0x56: {  	_ =	shalt  }
0x57: {  	_ =	shalt  }
0x58: {  	_ =	shalt  }
0x59: {  	_ =	shalt  }
0x5a: {  	_ =	shalt  }
0x5b: {  	_ =	shalt  }
0x5c: {  	_ =	shalt  }
0x5d: {  	_ =	shalt  }
0x5e: {  	_ =	shalt  }
0x5f: {  	_ =	shalt  }
0x60: {  	_ =	shalt  }
0x61: {  	_ =	shalt  }
0x62: {  	_ =	shalt  }
0x63: {  	_ =	shalt  }
0x64: {  	_ =	shalt  }
0x65: {  	_ =	shalt  }
0x66: {  	_ =	shalt  }
0x67: {  	_ =	shalt  }
0x68: {  	_ =	shalt  }
0x69: {  	_ =	shalt  }
0x6a: {  	_ =	shalt  }
0x6b: {  	_ =	shalt  }
0x6c: {  	_ =	shalt  }
0x6d: {  	_ =	shalt  }
0x6e: {  	_ =	shalt  }
0x6f: {  	_ =	shalt  }
0x70: {  	_ =	shalt  }
0x71: {  	_ =	shalt  }
0x72: {  	_ =	shalt  }
0x73: {  	_ =	shalt  }
0x74: {  	_ =	shalt  }
0x75: {  	_ =	shalt  }
0x76: {  	_ =	shalt  }
0x77: {  	_ =	shalt  }
0x78: {  	_ =	shalt  }
0x79: {  	_ =	shalt  }
0x7a: {  	_ =	shalt  }
0x7b: {  	_ =	shalt  }
0x7c: {  	_ =	shalt  }
0x7d: {  	_ =	shalt  }
0x7e: {  	_ =	shalt  }
0x7f: {  	_ =	shalt  }
0x80: {  	_ =	shalt  }
0x81: {  	_ =	shalt  }
0x82: {  	_ =	shalt  }
0x83: {  	_ =	shalt  }
0x84: {  	_ =	shalt  }
0x85: {  	_ =	shalt  }
0x86: {  	_ =	shalt  }
0x87: {  	_ =	shalt  }
.Lfunc_end0:
.L_simem_size_0:
called_computation_lowered:
.L_overlay_start_0:
0x88: {  	s2 =	sld [smem:$0x3FD9]  }
0x89: {  	s3 =	sld [smem:$0x3FFE];
	_ =	sdelay $0x1  }
0x8a: {  	s1 =	srdreg.scid  }
0x8b: {  	s0 =	sand.u32 $0x1, s1  }
0x8c: {  	s17 =	sshll.u32 s0, $0xA;
	s2 =	sadd.s32 s3, s2  }
0x8d: {  	s2 =	sadd.s32 s2, s17  }
0x8e: {  	[smem:$0x3FC5] =	sst s2  }
0x8f: {  	_ = 	snop  }
0x90: {  	s2 =	sld [smem:$0x3FD0];
	(tm) =	ssettm $0x1  }
0x91: {  	s18 =	sld [smem:$0x3FFB];
	_ =	sdelay $0x3  }
0x92: {  	_ =	strace s18  }
0x93: {  	s3 =	sld [smem:$0x3FFC];
	_ =	sdelay $0x3  }
0x94: {  	_ =	strace s3  }
0x95: {  	s3 =	sld [smem:$0x3FFD];
	_ =	sdelay $0x3  }
0x96: {  	_ =	strace s3  }
0x97: {  	_ =	strace $0x8FFFFFFF  }
0x98: {  	s19 =	sld [smem:$0x3FDB];
	_ =	sdelay $0x1  }
0x99: {  	s4 =	simm.s32 $_scs_section_size  }
0x9a: {  	s5 =	simm.s32 $_size__tile_overlayer_lowered;
	s6 =	simm.s32 $_tile_overlayer_lowered  }
0x9b: {  	s22 =	simm.s32 $0x1BFF;
	s21 =	sshll.u32 s6, $0x1;
	s3 =	sadd.s32 s4, s19  }
0x9c: {  	s7 =	simm.s32 $0x0;
	s20 =	sshll.u32 s5, $0x1;
	s5 =	sadd.s32 s21, s3  }
0x9d: {  	[timem:s7], [sflag:s22] =	dma.local [hbm:s5], s20  }
0x9e: {  	_ =	swait.ge [sflag:s22], s20  }
0x9f: {  	s4 =	ssub.s32 $0x0, s20;
	[sflag:s22] =	ssyncset.done $0x0  }
0xa0: {  	[sflag:s22] =	ssyncadd.s32 s4;
	_ =	sdelay $0x1  }
0xa1: {  	s23 =	simm.s32 $0x1B8B  }
0xa2: {  	_ =	swait.ge [sflag:s23], $0x1  }
0xa3: {  	[sflag:s23] =	ssyncset.done $0x0  }
0xa4: {  	s25 =	simm.s32 $0x1B8E;
	s24 =	sld [smem:$0x3FFE];
	[sflag:s23] =	ssyncadd.s32 $0xFFFFFFFF  }
0xa5: {  	s26 =	simm.s32 $execute0_lowered;
	[smem:$0x3FD2] =	sst s25  }
0xa6: {  	s5 =	sshll.u32 s26, $0x1;
	_ =	strace $0x80000046;
	[dreg:$0x1] =	wrdreg $0xFFFFFFFF  }
0xa7: {  	s28 =	simm.s32 $_size_execute0_lowered;
	s3 =	sadd.s32 s3, s5;
	[dreg:$0x0] =	wrdreg $0x0  }
0xa8: {  	s5 =	sshll.u32 s28, $0x1;
	[dreg:$0x2] =	wrdreg s3  }
0xa9: {  	[dreg:$0x3] =	wrdreg s5  }
0xaa: {  	[dreg:$0x4] =	wrdreg $0xC0  }
0xab: {  	_ =	task [dreg:s7], $0x5FFFF  }
0xac: {  	[dreg:$0x1] =	wrdreg $0xFFFFFFFF  }
0xad: {  	[dreg:$0x0] =	wrdreg $0x60  }
0xae: {  	[dreg:$0x2] =	wrdreg s24  }
0xaf: {  	[dreg:$0x3] =	wrdreg s2  }
0xb0: {  	[dreg:$0x4] =	wrdreg $0x9  }
0xb1: {  	_ =	task.clear_ibuf [dreg:s7], $0x5FFFF;
	_ =	strace $0x90000046  }
0xb2: {  	s29 =	simm.s32 $0x9;
	_ =	strace $0x80000048  }
0xb3: {  	_ =	swait.ge [sflag:s29], $0x1  }
0xb4: {  	[sflag:s29] =	ssyncadd.s32 $0xFFFFFFFF  }
0xb5: {  	_ =	strace $0x90000048  }
0xb6: {  	_ =	sfence  }
0xb7: {  	s30 =	sld [smem:$0x0];
	_ =	sdelay $0x2  }
0xb8: {  	s31 =	sshll.u32 s1, $0xD;
	s1 =	sshrl.u32 s1, $0x2  }
0xb9: {  	s3 =	sand.u32 $0x4000, s31;
	s1 =	sadd.s32 s1, s30  }
0xba: {  	s0 =	sor.u32 s3, s0;
	s1 =	sshll.u32 s1, $0x11  }
0xbb: {  	s0 =	sor.u32 s1, s0  }
0xbc: {  	s0 =	sadd.s32 $0x8F2B, s0  }
0xbd: {  	[sflag:s0] =	ssyncadd.remote.s32 $0x1  }
0xbe: {  	_ =	sfence.sel $0xFFFF  }
0xbf: {  	[dreg:$0x0] =	wrdreg $0xFFFFFFFF;
	(pc) =	sbr.abs _section_cstart, $3  }
0xc0: {  	[dreg:$0x1] =	wrdreg $0xFFFFFFFF  }
0xc1: {  	_ =	task.clear_ibuf [dreg:s7], $0x2FFFF;
	_ =	strace $0x9FFFFFFF  }
0xc2: {  	(tm) =	ssettm $0x7FFFFFFF  }
0xc3: {  	_ =	shalt  }
tec
execute0_lowered:
.L_overlay_start_1:
0x0: {  	(tag) =	ssettag $0x1  }
0x1: {  	s4 =	srdreg.scid  }
0x2: {  	s3 =	rddreg [dreg:$0x0];
	s4 =	sand.u32 $0x1, s4  }
0x3: {  	s6 =	rddreg [dreg:$0x1];
	s5 =	ssub.s32 $0x2, s4  }
0x4: {  	s0 =	rddreg [dreg:$0x2];
	s2 =	simm.s32 $0x0;
	s8 =	sshrl.u32 s5, $0x1  }
0x5: {  	s1 =	stileid.u32;
	s10 =	simm.s32 $0x200;
	s5 =	ssub.s32 s5, s8  }
0x6: {  	s11 =	simm.s32 $0x280;
	s12 =	simm.s32 $0x100;
	s16 =	smax.u32 s5, $0x1  }
0x7: {  	s13 =	simm.s32 $0x300;
	s14 =	simm.s32 $0x180;
	p1 =	sne.s32 s16, $0x1  }
.Ltmp0:
0x8: {  	s15 =	simm.s32 $0x380;
	p0 =	por $0x0, $0x0;
	(pc) =	sbr.rel @!p1 .LBB2_3-.Ltmp0, $4  }
0x9: {  	s7 =	sshll.u32 s1, $0x7;
	[smem:$0x7FF] =	sst s2;
	s4 =	sshll.u32 s4, $0x6  }
0xa: {  	_ =	strace $0x80000047;
	s4 =	sor.u32 s4, s7;
	s7 =	simm.s32 $0x1  }
0xb: {  	s9 =	sadd.s32 s3, s4;
	s3 =	simm.s32 $0x2;
	s8 =	simm.s32 $0x80  }
0xc: {  	s4 =	sadd.s32 $0x800, s9;
	s5 =	simm.s32 $0x400;
	s16 =	sadd.s32 $0xFFFFFFFF, s16  }
0xd: {  	[tilespmem:s2], [sflag:$0x2] =	stream.linear.gather [hbm4b:s9+s2], $0x200, $0x38;
	[tilespmem:$0x600] =	vst v63  }
0xe: {  	_ =	swait.ge [sflag:s3], $0x200  }
0xf: {  	[sflag:s3] =	ssyncset.done $0x0  }
0x10: {  	[sflag:s3] =	ssyncadd.s32 $0xFFFFFE00  }
0x11: {  	[tilespmem:s10], [sflag:$0x1] =	stream.indirect.gather [hbm4b:s6+s8], $0x1, s2, s8, $0xb8;
	[tilespmem:$0x600] =	vst v63  }
0x12: {  	_ = 	snop  }
0x13: {  	[tilespmem:s11], [sflag:$0x1] =	stream.indirect.gather [hbm4b:s6+s8], $0x1, s8, s8, $0xb8;
	[tilespmem:$0x600] =	vst v63  }
0x14: {  	_ = 	snop  }
0x15: {  	[tilespmem:s13], [sflag:$0x1] =	stream.indirect.gather [hbm4b:s6+s8], $0x1, s12, s8, $0xb8;
	[tilespmem:$0x600] =	vst v63  }
0x16: {  	_ = 	snop  }
0x17: {  	[tilespmem:s15], [sflag:$0x1] =	stream.indirect.gather [hbm4b:s6+s8], $0x1, s14, s8, $0xb8;
	[tilespmem:$0x600] =	vst v63  }
0x18: {  	_ =	swait.ge [sflag:s7], $0x80  }
0x19: {  	[sflag:s7] =	ssyncset.done $0x0  }
0x1a: {  	[sflag:s7] =	ssyncadd.s32 $0xFFFFFF80  }
0x1b: {  	_ =	swait.ge [sflag:s7], $0x80  }
0x1c: {  	[sflag:s7] =	ssyncset.done $0x0  }
0x1d: {  	[sflag:s7] =	ssyncadd.s32 $0xFFFFFF80  }
0x1e: {  	_ =	swait.ge [sflag:s7], $0x80  }
0x1f: {  	[sflag:s7] =	ssyncset.done $0x0  }
0x20: {  	[sflag:s7] =	ssyncadd.s32 $0xFFFFFF80  }
0x21: {  	_ =	swait.ge [sflag:s7], $0x80  }
0x22: {  	[sflag:s7] =	ssyncset.done $0x0  }
0x23: {  	[sflag:s7] =	ssyncadd.s32 $0xFFFFFF80  }
0x24: {  	v0 =	vld [tilespmem:$0x2E0]  }
0x25: {  	v1 =	vld [tilespmem:$0x250]  }
0x26: {  	v2 =	vld [tilespmem:$0x370]  }
0x27: {  	v4 =	vld [tilespmem:$0x240]  }
0x28: {  	v5 =	vld [tilespmem:$0x300]  }
0x29: {  	v6 =	vld [tilespmem:$0x310]  }
0x2a: {  	v1 =	vsub.f32 v1, v1  }
0x2b: {  	v7 =	vld [tilespmem:$0x320];
	v0 =	vsub.f32 v0, v0  }
0x2c: {  	v3 =	vld [tilespmem:$0x2F0];
	v4 =	vsub.f32 v4, v4;
	[tilespmem:$0x450] =	vst v1  }
0x2d: {  	v2 =	vsub.f32 v2, v2;
	v1 =	vld [tilespmem:$0x330];
	[tilespmem:$0x4E0] =	vst v0  }
0x2e: {  	v0 =	vsub.f32 v5, v5;
	[tilespmem:$0x440] =	vst v4;
	v4 =	vsub.f32 v6, v6;
	v6 =	vld [tilespmem:$0x350]  }
0x2f: {  	[tilespmem:$0x570] =	vst v2;
	v5 =	vld [tilespmem:$0x340]  }
0x30: {  	v2 =	vld [tilespmem:$0x3F0];
	[tilespmem:$0x500] =	vst v0;
	v0 =	vsub.f32 v7, v7  }
0x31: {  	v3 =	vsub.f32 v3, v3;
	v7 =	vld [tilespmem:$0x360]  }
0x32: {  	[tilespmem:$0x520] =	vst v0;
	v0 =	vld [tilespmem:$0x390];
	v1 =	vsub.f32 v1, v1  }
0x33: {  	[tilespmem:$0x4F0] =	vst v3;
	v3 =	vsub.f32 v6, v6;
	v6 =	vld [tilespmem:$0x3B0]  }
0x34: {  	[tilespmem:$0x530] =	vst v1;
	v1 =	vsub.f32 v5, v5;
	v5 =	vld [tilespmem:$0x3A0]  }
0x35: {  	v8 =	vld [tilespmem:$0x210];
	v2 =	vsub.f32 v2, v2;
	[tilespmem:$0x550] =	vst v3  }
0x36: {  	v3 =	vld [tilespmem:$0x2A0];
	[tilespmem:$0x540] =	vst v1;
	v1 =	vsub.f32 v7, v7  }
0x37: {  	[tilespmem:$0x5F0] =	vst v2;
	v7 =	vld [tilespmem:$0x220];
	v0 =	vsub.f32 v0, v0  }
0x38: {  	v2 =	vld [tilespmem:$0x260];
	[tilespmem:$0x560] =	vst v1  }
0x39: {  	[tilespmem:$0x590] =	vst v0;
	v0 =	vsub.f32 v6, v6;
	v1 =	vsub.f32 v5, v5;
	v5 =	vld [tilespmem:$0x3C0]  }
0x3a: {  	[tilespmem:$0x510] =	vst v4;
	v6 =	vsub.f32 v8, v8;
	v8 =	vld [tilespmem:$0x270]  }
0x3b: {  	v4 =	vld [tilespmem:$0x380];
	[tilespmem:$0x5B0] =	vst v0  }
0x3c: {  	v0 =	vld [tilespmem:$0x3D0];
	[tilespmem:$0x5A0] =	vst v1;
	v1 =	vsub.f32 v7, v7  }
0x3d: {  	v3 =	vsub.f32 v3, v3;
	[tilespmem:$0x410] =	vst v6;
	v6 =	vld [tilespmem:$0x280]  }
0x3e: {  	v2 =	vsub.f32 v2, v2;
	[tilespmem:$0x420] =	vst v1;
	v1 =	vsub.f32 v5, v5;
	v5 =	vld [tilespmem:$0x3E0]  }
0x3f: {  	v7 =	vld [tilespmem:$0x230];
	[tilespmem:$0x4A0] =	vst v3;
	v3 =	vsub.f32 v8, v8  }
0x40: {  	p1 =	sne.s32 s16, $0x1;
	[tilespmem:$0x460] =	vst v2;
	v8 =	vld [tilespmem:$0x290]  }
.Ltmp1:
0x41: {  	v2 =	vld [tilespmem:$0x200];
	v0 =	vsub.f32 v0, v0;
	[tilespmem:$0x470] =	vst v3;
	(pc) =	sbr.rel @!p1 .LBB2_3-.Ltmp1, $4  }
0x42: {  	v6 =	vsub.f32 v6, v6;
	[tilespmem:$0x5C0] =	vst v1;
	v1 =	vld [tilespmem:$0x2B0]  }
0x43: {  	v3 =	vld [tilespmem:$0x2C0];
	[tilespmem:$0x5D0] =	vst v0;
	v9 =	vsub.f32 v5, v5  }
0x44: {  	v0 =	vsub.f32 v4, v4;
	[tilespmem:$0x480] =	vst v6;
	v4 =	vld [tilespmem:$0x2D0];
	v5 =	vsub.f32 v7, v7  }
0x45: {  	s16 =	sadd.s32 $0xFFFFFFFF, s16;
	p0 =	por $0x1, $0x1;
	v6 =	vsub.f32 v8, v8;
	[tilespmem:$0x5E0] =	vst v9  }
.LBB2_2:
0x46: {  	p1 =	sne.s32 s16, $0x1;
	s16 =	sadd.s32 $0xFFFFFFFF, s16;
	[tilespmem:$0x430] =	vst v5  }
0x47: {  	v1 =	vsub.f32 v1, v1;
	v2 =	vsub.f32 v2, v2;
	[tilespmem:$0x490] =	vst v6  }
0x48: {  	v3 =	vsub.f32 v3, v3;
	[tilespmem:$0x580] =	vst v0  }
0x49: {  	[tilespmem:$0x400] =	vst v2;
	v0 =	vsub.f32 v4, v4  }
0x4a: {  	[tilespmem:$0x4C0] =	vst v3  }
0x4b: {  	[tilespmem:$0x4D0] =	vst v0  }
0x4c: {  	[tilespmem:$0x4B0] =	vst v1  }
0x4d: {  	[hbm4b:s4+s2] =	stream.linear.scatter [tilespmem:s5], [sflag:$0x2], $0x200, $0x38;
	[tilespmem:$0x600] =	vst v63  }
0x4e: {  	_ =	swait.ge [sflag:s3], $0x200  }
0x4f: {  	[sflag:s3] =	ssyncset.done $0x0  }
0x50: {  	[sflag:s3] =	ssyncadd.s32 $0xFFFFFE00  }
0x51: {  	[tilespmem:s2], [sflag:$0x2] =	stream.linear.gather [hbm4b:s9+s2], $0x200, $0x38;
	[tilespmem:$0x600] =	vst v63  }
0x52: {  	_ =	swait.ge [sflag:s3], $0x200  }
0x53: {  	[sflag:s3] =	ssyncset.done $0x0  }
0x54: {  	[sflag:s3] =	ssyncadd.s32 $0xFFFFFE00  }
0x55: {  	[tilespmem:s10], [sflag:$0x1] =	stream.indirect.gather [hbm4b:s6+s8], $0x1, s2, s8, $0xb8;
	[tilespmem:$0x600] =	vst v63  }
0x56: {  	_ = 	snop  }
0x57: {  	[tilespmem:s11], [sflag:$0x1] =	stream.indirect.gather [hbm4b:s6+s8], $0x1, s8, s8, $0xb8;
	[tilespmem:$0x600] =	vst v63  }
0x58: {  	_ = 	snop  }
0x59: {  	[tilespmem:s13], [sflag:$0x1] =	stream.indirect.gather [hbm4b:s6+s8], $0x1, s12, s8, $0xb8;
	[tilespmem:$0x600] =	vst v63  }
0x5a: {  	_ = 	snop  }
0x5b: {  	[tilespmem:s15], [sflag:$0x1] =	stream.indirect.gather [hbm4b:s6+s8], $0x1, s14, s8, $0xb8;
	[tilespmem:$0x600] =	vst v63  }
0x5c: {  	_ =	swait.ge [sflag:s7], $0x80  }
0x5d: {  	[sflag:s7] =	ssyncset.done $0x0  }
0x5e: {  	[sflag:s7] =	ssyncadd.s32 $0xFFFFFF80  }
0x5f: {  	_ =	swait.ge [sflag:s7], $0x80  }
0x60: {  	[sflag:s7] =	ssyncset.done $0x0  }
0x61: {  	[sflag:s7] =	ssyncadd.s32 $0xFFFFFF80  }
0x62: {  	_ =	swait.ge [sflag:s7], $0x80  }
0x63: {  	[sflag:s7] =	ssyncset.done $0x0  }
0x64: {  	[sflag:s7] =	ssyncadd.s32 $0xFFFFFF80  }
0x65: {  	_ =	swait.ge [sflag:s7], $0x80  }
0x66: {  	[sflag:s7] =	ssyncset.done $0x0  }
0x67: {  	[sflag:s7] =	ssyncadd.s32 $0xFFFFFF80  }
0x68: {  	v0 =	vld [tilespmem:$0x2E0]  }
0x69: {  	v1 =	vld [tilespmem:$0x250]  }
0x6a: {  	v2 =	vld [tilespmem:$0x370]  }
0x6b: {  	v3 =	vld [tilespmem:$0x2F0]  }
0x6c: {  	v4 =	vld [tilespmem:$0x240]  }
0x6d: {  	v5 =	vld [tilespmem:$0x300]  }
0x6e: {  	v1 =	vsub.f32 v1, v1;
	v6 =	vld [tilespmem:$0x310]  }
0x6f: {  	v0 =	vsub.f32 v0, v0;
	v7 =	vld [tilespmem:$0x320];
	v2 =	vsub.f32 v2, v2  }
0x70: {  	[tilespmem:$0x450] =	vst v1;
	v1 =	vsub.f32 v3, v3;
	v3 =	vld [tilespmem:$0x330]  }
0x71: {  	v4 =	vsub.f32 v4, v4;
	[tilespmem:$0x570] =	vst v2;
	v2 =	vld [tilespmem:$0x3F0]  }
0x72: {  	[tilespmem:$0x4E0] =	vst v0;
	v0 =	vsub.f32 v5, v5;
	v5 =	vld [tilespmem:$0x340]  }
0x73: {  	[tilespmem:$0x440] =	vst v4;
	v4 =	vsub.f32 v6, v6;
	v6 =	vld [tilespmem:$0x350]  }
0x74: {  	[tilespmem:$0x500] =	vst v0;
	v0 =	vsub.f32 v7, v7;
	v7 =	vld [tilespmem:$0x360]  }
0x75: {  	[tilespmem:$0x510] =	vst v4;
	v3 =	vsub.f32 v3, v3;
	v4 =	vld [tilespmem:$0x380]  }
0x76: {  	[tilespmem:$0x520] =	vst v0;
	v8 =	vld [tilespmem:$0x390];
	v2 =	vsub.f32 v2, v2  }
0x77: {  	[tilespmem:$0x530] =	vst v3;
	v0 =	vsub.f32 v5, v5;
	v3 =	vld [tilespmem:$0x3A0]  }
0x78: {  	[tilespmem:$0x4F0] =	vst v1;
	v1 =	vsub.f32 v6, v6;
	v5 =	vld [tilespmem:$0x3B0]  }
0x79: {  	v6 =	vld [tilespmem:$0x210];
	[tilespmem:$0x540] =	vst v0;
	v7 =	vsub.f32 v7, v7  }
0x7a: {  	v9 =	vld [tilespmem:$0x220];
	[tilespmem:$0x550] =	vst v1;
	v0 =	vsub.f32 v4, v4  }
0x7b: {  	v1 =	vld [tilespmem:$0x2A0];
	[tilespmem:$0x560] =	vst v7;
	v4 =	vsub.f32 v8, v8  }
0x7c: {  	v3 =	vsub.f32 v3, v3;
	v7 =	vld [tilespmem:$0x3C0];
	[tilespmem:$0x5F0] =	vst v2  }
0x7d: {  	v2 =	vld [tilespmem:$0x260];
	[tilespmem:$0x590] =	vst v4;
	v4 =	vsub.f32 v5, v5  }
0x7e: {  	v5 =	vsub.f32 v6, v6;
	v6 =	vld [tilespmem:$0x270];
	[tilespmem:$0x5A0] =	vst v3  }
0x7f: {  	v3 =	vsub.f32 v9, v9;
	[tilespmem:$0x5B0] =	vst v4;
	v4 =	vld [tilespmem:$0x3D0]  }
0x80: {  	[tilespmem:$0x410] =	vst v5;
	v5 =	vld [tilespmem:$0x280];
	v1 =	vsub.f32 v1, v1  }
0x81: {  	[tilespmem:$0x420] =	vst v3;
	v3 =	vsub.f32 v7, v7;
	v7 =	vld [tilespmem:$0x3E0]  }
0x82: {  	v8 =	vld [tilespmem:$0x230];
	v2 =	vsub.f32 v2, v2;
	[tilespmem:$0x4A0] =	vst v1  }
0x83: {  	v6 =	vsub.f32 v6, v6;
	v9 =	vld [tilespmem:$0x290];
	[tilespmem:$0x5C0] =	vst v3  }
.Ltmp2:
0x84: {  	[tilespmem:$0x460] =	vst v2;
	v1 =	vld [tilespmem:$0x2B0];
	v4 =	vsub.f32 v4, v4;
	(pc) =	sbr.rel @p1 .LBB2_2-.Ltmp2, $4  }
0x85: {  	v2 =	vld [tilespmem:$0x200];
	[tilespmem:$0x470] =	vst v6;
	v6 =	vsub.f32 v5, v5  }
0x86: {  	v3 =	vld [tilespmem:$0x2C0];
	[tilespmem:$0x5D0] =	vst v4;
	v7 =	vsub.f32 v7, v7  }
0x87: {  	v5 =	vsub.f32 v8, v8;
	[tilespmem:$0x480] =	vst v6;
	v4 =	vld [tilespmem:$0x2D0]  }
0x88: {  	v6 =	vsub.f32 v9, v9;
	[tilespmem:$0x5E0] =	vst v7  }
.LBB2_3:
0x89: {  	[tilespmem:$0x430] =	vst @p0 v5  }
0x8a: {  	[tilespmem:$0x580] =	vst @p0 v0;
	v2 =	vsub.f32 @p0 v2, v2  }
0x8b: {  	[tilespmem:$0x490] =	vst @p0 v6;
	v1 =	vsub.f32 @p0 v1, v1  }
0x8c: {  	v3 =	vsub.f32 @p0 v3, v3;
	[tilespmem:$0x400] =	vst @p0 v2  }
0x8d: {  	v0 =	vsub.f32 @p0 v4, v4;
	[tilespmem:$0x4B0] =	vst @p0 v1  }
0x8e: {  	[tilespmem:$0x4C0] =	vst @p0 v3  }
0x8f: {  	[tilespmem:$0x4D0] =	vst @p0 v0  }
0x90: {  	[hbm4b:s4+s2] =	stream.linear.scatter @p0 [tilespmem:s5], [sflag:$0x2], $0x200, $0x38;
	[tilespmem:$0x600] =	vst v63  }
0x91: {  	_ =	swait.ge @p0 [sflag:s3], $0x200  }
0x92: {  	[sflag:s3] =	ssyncset.done @p0 $0x0  }
0x93: {  	[sflag:s3] =	ssyncadd.s32 @p0 $0xFFFFFE00  }
0x94: {  	[tilespmem:s2], [sflag:$0x2] =	stream.linear.gather [hbm4b:s9+s2], $0x200, $0x38;
	[tilespmem:$0x600] =	vst v63  }
0x95: {  	_ =	swait.ge [sflag:s3], $0x200  }
0x96: {  	[sflag:s3] =	ssyncset.done $0x0  }
0x97: {  	[sflag:s3] =	ssyncadd.s32 $0xFFFFFE00  }
0x98: {  	[tilespmem:s10], [sflag:$0x1] =	stream.indirect.gather [hbm4b:s6+s8], $0x1, s2, s8, $0xb8;
	[tilespmem:$0x600] =	vst v63  }
0x99: {  	_ = 	snop  }
0x9a: {  	[tilespmem:s11], [sflag:$0x1] =	stream.indirect.gather [hbm4b:s6+s8], $0x1, s8, s8, $0xb8;
	[tilespmem:$0x600] =	vst v63  }
0x9b: {  	_ = 	snop  }
0x9c: {  	[tilespmem:s13], [sflag:$0x1] =	stream.indirect.gather [hbm4b:s6+s8], $0x1, s12, s8, $0xb8;
	[tilespmem:$0x600] =	vst v63  }
0x9d: {  	_ = 	snop  }
0x9e: {  	[tilespmem:s15], [sflag:$0x1] =	stream.indirect.gather [hbm4b:s6+s8], $0x1, s14, s8, $0xb8;
	[tilespmem:$0x600] =	vst v63  }
0x9f: {  	_ =	swait.ge [sflag:s7], $0x80  }
0xa0: {  	[sflag:s7] =	ssyncset.done $0x0  }
0xa1: {  	[sflag:s7] =	ssyncadd.s32 $0xFFFFFF80  }
0xa2: {  	_ =	swait.ge [sflag:s7], $0x80  }
0xa3: {  	[sflag:s7] =	ssyncset.done $0x0  }
0xa4: {  	[sflag:s7] =	ssyncadd.s32 $0xFFFFFF80  }
0xa5: {  	_ =	swait.ge [sflag:s7], $0x80  }
0xa6: {  	[sflag:s7] =	ssyncset.done $0x0  }
0xa7: {  	[sflag:s7] =	ssyncadd.s32 $0xFFFFFF80  }
0xa8: {  	_ =	swait.ge [sflag:s7], $0x80  }
0xa9: {  	[sflag:s7] =	ssyncset.done $0x0  }
0xaa: {  	[sflag:s7] =	ssyncadd.s32 $0xFFFFFF80  }
0xab: {  	v10 =	vld [tilespmem:$0x250]  }
0xac: {  	v11 =	vld [tilespmem:$0x370]  }
0xad: {  	v12 =	vld [tilespmem:$0x2E0]  }
0xae: {  	v13 =	vld [tilespmem:$0x240]  }
0xaf: {  	v14 =	vld [tilespmem:$0x300]  }
0xb0: {  	v15 =	vld [tilespmem:$0x310];
	v0 =	vsub.f32 v10, v10  }
0xb1: {  	v16 =	vld [tilespmem:$0x320];
	v1 =	vsub.f32 v11, v11  }
0xb2: {  	v7 =	vld [tilespmem:$0x2F0];
	v2 =	vsub.f32 v12, v12;
	[tilespmem:$0x450] =	vst v0  }
0xb3: {  	v19 =	vld [tilespmem:$0x340];
	v3 =	vsub.f32 v13, v13;
	[tilespmem:$0x570] =	vst v1  }
0xb4: {  	v21 =	vld [tilespmem:$0x350];
	v18 =	vsub.f32 v14, v14;
	[tilespmem:$0x4E0] =	vst v2  }
0xb5: {  	v23 =	vld [tilespmem:$0x360];
	v20 =	vsub.f32 v15, v15;
	[tilespmem:$0x440] =	vst v3  }
0xb6: {  	v24 =	vld [tilespmem:$0x3F0];
	v22 =	vsub.f32 v16, v16;
	[tilespmem:$0x500] =	vst v18  }
0xb7: {  	v26 =	vld [tilespmem:$0x390];
	v25 =	vsub.f32 v7, v7;
	[tilespmem:$0x510] =	vst v20  }
0xb8: {  	v28 =	vld [tilespmem:$0x3A0];
	v27 =	vsub.f32 v19, v19;
	[tilespmem:$0x520] =	vst v22  }
0xb9: {  	v30 =	vld [tilespmem:$0x3B0];
	v29 =	vsub.f32 v21, v21;
	[tilespmem:$0x4F0] =	vst v25  }
0xba: {  	v31 =	vld [tilespmem:$0x210];
	v32 =	vsub.f32 v23, v23;
	[tilespmem:$0x540] =	vst v27  }
0xbb: {  	v34 =	vld [tilespmem:$0x220];
	v33 =	vsub.f32 v24, v24;
	[tilespmem:$0x550] =	vst v29  }
0xbc: {  	v38 =	vld [tilespmem:$0x3C0];
	v36 =	vsub.f32 v26, v26;
	[tilespmem:$0x560] =	vst v32  }
0xbd: {  	v39 =	vld [tilespmem:$0x260];
	v37 =	vsub.f32 v28, v28;
	[tilespmem:$0x5F0] =	vst v33  }
0xbe: {  	v42 =	vld [tilespmem:$0x270];
	v40 =	vsub.f32 v30, v30;
	[tilespmem:$0x590] =	vst v36  }
0xbf: {  	v45 =	vld [tilespmem:$0x280];
	v41 =	vsub.f32 v31, v31;
	[tilespmem:$0x5A0] =	vst v37  }
0xc0: {  	v47 =	vld [tilespmem:$0x3E0];
	v43 =	vsub.f32 v34, v34;
	[tilespmem:$0x5B0] =	vst v40  }
0xc1: {  	v48 =	vld [tilespmem:$0x230];
	v46 =	vsub.f32 v38, v38;
	[tilespmem:$0x410] =	vst v41  }
0xc2: {  	v50 =	vld [tilespmem:$0x290];
	v5 =	vsub.f32 v39, v39;
	[tilespmem:$0x420] =	vst v43  }
0xc3: {  	v51 =	vld [tilespmem:$0x380];
	v49 =	vsub.f32 v42, v42;
	[tilespmem:$0x5C0] =	vst v46  }
0xc4: {  	v52 =	vld [tilespmem:$0x200];
	v53 =	vsub.f32 v45, v45;
	[tilespmem:$0x460] =	vst v5  }
0xc5: {  	v54 =	vld [tilespmem:$0x2C0];
	v55 =	vsub.f32 v47, v47;
	[tilespmem:$0x470] =	vst v49  }
0xc6: {  	v57 =	vld [tilespmem:$0x2D0];
	v56 =	vsub.f32 v48, v48;
	[tilespmem:$0x480] =	vst v53  }
0xc7: {  	v58 =	vld [tilespmem:$0x2B0];
	v7 =	vsub.f32 v50, v50;
	[tilespmem:$0x5E0] =	vst v55  }
0xc8: {  	v17 =	vld [tilespmem:$0x330];
	v59 =	vsub.f32 v51, v51;
	[tilespmem:$0x430] =	vst v56  }
0xc9: {  	v35 =	vld [tilespmem:$0x2A0];
	v60 =	vsub.f32 v52, v52;
	[tilespmem:$0x490] =	vst v7  }
0xca: {  	v44 =	vld [tilespmem:$0x3D0];
	v61 =	vsub.f32 v54, v54;
	[tilespmem:$0x580] =	vst v59  }
0xcb: {  	v62 =	vsub.f32 v57, v57;
	[tilespmem:$0x400] =	vst v60  }
0xcc: {  	v63 =	vsub.f32 v58, v58;
	[tilespmem:$0x4C0] =	vst v61  }
0xcd: {  	v0 =	vsub.f32 v17, v17;
	[tilespmem:$0x4D0] =	vst v62  }
0xce: {  	v3 =	vsub.f32 v35, v35;
	[tilespmem:$0x4B0] =	vst v63  }
0xcf: {  	[tilespmem:$0x530] =	vst v0;
	v0 =	vsub.f32 v44, v44  }
0xd0: {  	[tilespmem:$0x4A0] =	vst v3  }
0xd1: {  	[tilespmem:$0x5D0] =	vst v0  }
0xd2: {  	[hbm4b:s4+s2] =	stream.linear.scatter [tilespmem:s5], [sflag:$0x2], $0x200, $0x38;
	[tilespmem:$0x600] =	vst v63  }
0xd3: {  	_ =	swait.ge [sflag:s3], $0x200  }
0xd4: {  	[sflag:s3] =	ssyncset.done $0x0  }
0xd5: {  	[sflag:s3] =	ssyncadd.s32 $0xFFFFFE00  }
0xd6: {  	_ =	sfence.sel $0x180000  }
0xd7: {  	[bflag:$0x0] =	sbarrier.arrive $0xFFFF  }
0xd8: {  	p0 =	sne.s32 s1, $0x0;
	_ =	strace $0x90000047  }
0xd9: {  	s0 =	sadd.s32 @!p0 $0x100000, s0;
	[bflag:$0x2] =	sbarrier.arrive $0xFFFF  }
0xda: {  	[sflag:s0] =	ssyncadd.tile.s32 @!p0 $0x1;
	_ =	shalt  }
.Lfunc_end2:
_tile_overlayer_lowered:
.L_overlay_start_2:
0xdb: {  	(tag) =	ssettag $0x2  }
0xdc: {  	s0 =	rddreg [dreg:$0x0];
	s2 =	stileid.u32  }
0xdd: {  	s1 =	rddreg [dreg:$0x1];
	p0 =	sne.s32 s2, $0x0  }
0xde: {  	s3 =	rddreg [dreg:$0x2];
	[bflag:$0x3] =	sbarrier.arrive $0xFFFF;
	s2 =	simm.s32 @!p0 $0x1C02  }
0xdf: {  	[timem:s3], [sflag:s2] =	dma.local @!p0 [hbm:s0], s1  }
0xe0: {  	s0 =	simm.s32 @!p0 $0x2  }
0xe1: {  	_ =	swait.ge @!p0 [sflag:s0], s1  }
0xe2: {  	s1 =	ssub.s32 @!p0 $0x0, s1;
	[sflag:s0] =	ssyncset.done @!p0 $0x0  }
0xe3: {  	[sflag:s0] =	ssyncadd.s32 @!p0 s1  }
0xe4: {  	[bflag:$0x3] =	sbarrier.arrive $0xFFFF  }
0xe5: {  	_ =	shalt  }

</sc_bundles>
